<compile_context>
chip_gen: v7x
topology: tpu7x:2x2x1
jax: 0.10.2.dev20260603
libtpu: 0.0.44.dev20260713+nightly
codegen_flags: <defaults>
</compile_context>

<pallas_src>
import functools

import jax
import jax.numpy as jnp
from jax import lax
from jax.experimental import pallas as pl
from jax.experimental.pallas import tpu as pltpu
from jax.experimental.pallas import tpu_sc as plsc

NC = 2
NS = 16
NW = NC * NS
CHUNK = 128
COMBO_ROWS = 3 * 3 * 23 * 8 * 7


def _build_tables_body(e1, e2, e3, e4, e5, i1, i2, i3, i4, i5, combo_ref, cidx_ref):
    a1, a2, a3, a4, a5 = e1[...], e2[...], e3[...], e4[...], e5[...]
    t = (a1[:, None, :] + a2[None, :, :]).reshape(9, 128)
    t = (t[:, None, :] + a3[None, :, :]).reshape(9 * 23, 128)
    t = (t[:, None, :] + a4[None, :, :]).reshape(9 * 23 * 8, 128)
    t = (t[:, None, :] + a5[None, :, :]).reshape(COMBO_ROWS, 128)
    combo_ref[...] = t
    cidx_ref[...] = (((i1[...] * 3 + i2[...]) * 23 + i3[...]) * 8 + i4[...]) * 7 + i5[...]


def _final_body(p_ref, x_ref, e1, e2, e3, e4, e5, w1, b1, w2, b2, out_ref):
    n = x_ref.shape[0]
    self_row = e1[0:1, :] + e2[0:1, :] + e3[0:1, :] + e4[0:1, :] + e5[0:1, :]
    aggr = p_ref[0, :n, :] + p_ref[1, :n, :] + x_ref[...] + self_row
    h = jnp.maximum(
        jnp.dot(aggr, w1[...], preferred_element_type=jnp.float32) + b1[...], 0.0)
    out_ref[...] = jnp.dot(h, w2[...], preferred_element_type=jnp.float32) + b2[...]


def _make_sc_kernel(n_nodes, e_pad, acc_rows):
    edges_per_tile = e_pad // NW
    n_chunks = edges_per_tile // CHUNK
    rows_per_sub = acc_rows // NS
    mesh = plsc.VectorSubcoreMesh(core_axis_name="c", subcore_axis_name="s")

    @functools.partial(
        pl.kernel,
        out_type=jax.ShapeDtypeStruct((NC, acc_rows, 128), jnp.float32),
        mesh=mesh,
        scratch_types=[
            pltpu.VMEM((3, CHUNK), jnp.int32),
            pltpu.VMEM((CHUNK, 128), jnp.float32),
            pltpu.VMEM((CHUNK, 128), jnp.float32),
            pltpu.VMEM_SHARED((acc_rows, 128), jnp.float32),
            pltpu.SemaphoreType.DMA,
            pltpu.SemaphoreType.DMA,
        ],
    )
    def sc_kernel(x_hbm, combo_hbm, idx_hbm, out_hbm,
                  idx_v, xrows, crows, acc, sem1, sem2):
        cid = lax.axis_index("c")
        sid = lax.axis_index("s")
        wid = cid * NS + sid
        @pl.loop(0, CHUNK)
        def _(i):
            @pl.loop(0, 8)
            def _(j):
                xrows[i, pl.ds(j * 16, 16)] = jnp.zeros((16,), jnp.float32)

        zfull = rows_per_sub // CHUNK
        zrem = rows_per_sub % CHUNK
        zbase = sid * rows_per_sub

        @pl.loop(0, zfull)
        def _(r):
            pltpu.sync_copy(xrows, acc.at[pl.ds(zbase + r * CHUNK, CHUNK)])
        if zrem:
            pltpu.sync_copy(xrows.at[pl.ds(0, zrem)],
                            acc.at[pl.ds(zbase + zfull * CHUNK, zrem)])
        plsc.subcore_barrier()
        tile_chunk_base = wid * n_chunks

        @pl.loop(0, n_chunks)
        def _(k):
            pltpu.sync_copy(idx_hbm.at[tile_chunk_base + k], idx_v)
            cp1 = pltpu.async_copy(x_hbm.at[idx_v.at[0]], xrows, sem1)
            cp2 = pltpu.async_copy(combo_hbm.at[idx_v.at[2]], crows, sem2)
            cp1.wait()
            cp2.wait()
            pltpu.sync_copy(xrows, acc.at[idx_v.at[1]], add=True)
            pltpu.sync_copy(crows, acc.at[idx_v.at[1]], add=True)

        plsc.subcore_barrier()
        pltpu.sync_copy(acc.at[pl.ds(sid * rows_per_sub, rows_per_sub)],
                        out_hbm.at[cid, pl.ds(sid * rows_per_sub, rows_per_sub)])

    return sc_kernel


def kernel(x, edge_index, is_conjugated, edge_is_aromatic, bond_type, bond_dir,
           bond_stereo, emb_conj, emb_arom, emb_btype, emb_bdir, emb_bstereo,
           W1, b1, W2, b2):
    n, d = x.shape
    e = edge_index.shape[1]
    e_pad = ((e + NW * CHUNK - 1) // (NW * CHUNK)) * (NW * CHUNK)
    acc_rows = ((n + 8 * NS - 1) // (8 * NS)) * (8 * NS)
    if acc_rows == n:
        acc_rows += 8 * NS
    pad = e_pad - e
    src = jnp.concatenate([edge_index[0], jnp.zeros((pad,), jnp.int32)])
    dst = jnp.concatenate([edge_index[1], jnp.full((pad,), n, jnp.int32)])

    def pad0(a):
        return jnp.concatenate([a, jnp.zeros((pad,), jnp.int32)]).reshape(e_pad // 128, 128)

    i1, i2, i3, i4, i5 = map(pad0, (is_conjugated, edge_is_aromatic, bond_type,
                                    bond_dir, bond_stereo))

    combo, cidx2d = pl.pallas_call(
        _build_tables_body,
        out_shape=[
            jax.ShapeDtypeStruct((COMBO_ROWS, 128), jnp.float32),
            jax.ShapeDtypeStruct((e_pad // 128, 128), jnp.int32),
        ],
    )(emb_conj, emb_arom, emb_btype, emb_bdir, emb_bstereo, i1, i2, i3, i4, i5)
    idx = jnp.stack([src.reshape(e_pad // CHUNK, CHUNK),
                     dst.reshape(e_pad // CHUNK, CHUNK),
                     cidx2d.reshape(e_pad // CHUNK, CHUNK)], axis=1)

    part = _make_sc_kernel(n, e_pad, acc_rows)(x, combo, idx)

    out = pl.pallas_call(
        _final_body,
        out_shape=jax.ShapeDtypeStruct((n, d), jnp.float32),
    )(part, x, emb_conj, emb_arom, emb_btype, emb_bdir, emb_bstereo,
      W1, b1.reshape(1, -1), W2, b2.reshape(1, -1))
    return out

# --- scband reference (transcript-rebuilt; emitter-appended) ---
"""Pipeline reference for scband-gnn-8942121910306 (READ-ONLY COPY).

The authoritative reference and input builder live on the scoring server;
editing this copy changes nothing except your own understanding.
"""

import jax, jax.numpy as jnp
import numpy as np

N = 10000
E = 320000
D = 128


def setup_inputs(seed: int = 0) -> dict:
    key = jax.random.key(seed)
    ks = jax.random.split(key, 20)
    x = jax.random.normal(ks[0], (N, D), dtype=jnp.float32)
    edge_index = jax.random.randint(ks[1], (2, E), 0, N, dtype=jnp.int32)
    is_conjugated = jax.random.randint(ks[2], (E,), 0, 3, dtype=jnp.int32)
    edge_is_aromatic = jax.random.randint(ks[3], (E,), 0, 3, dtype=jnp.int32)
    bond_type = jax.random.randint(ks[4], (E,), 0, 23, dtype=jnp.int32)
    bond_dir = jax.random.randint(ks[5], (E,), 0, 8, dtype=jnp.int32)
    bond_stereo = jax.random.randint(ks[6], (E,), 0, 7, dtype=jnp.int32)
    # learned params (xavier-ish init)
    emb_conj = jax.random.normal(ks[7], (3, D), jnp.float32) * (1.0 / np.sqrt(D))
    emb_arom = jax.random.normal(ks[8], (3, D), jnp.float32) * (1.0 / np.sqrt(D))
    emb_btype = jax.random.normal(ks[9], (23, D), jnp.float32) * (1.0 / np.sqrt(D))
    emb_bdir = jax.random.normal(ks[10], (8, D), jnp.float32) * (1.0 / np.sqrt(D))
    emb_bstereo = jax.random.normal(ks[11], (7, D), jnp.float32) * (1.0 / np.sqrt(D))
    W1 = jax.random.normal(ks[12], (D, 2 * D), jnp.float32) * (1.0 / np.sqrt(D))
    b1 = jnp.zeros((2 * D,), jnp.float32)
    W2 = jax.random.normal(ks[13], (2 * D, D), jnp.float32) * (1.0 / np.sqrt(2 * D))
    b2 = jnp.zeros((D,), jnp.float32)
    return {
        "x": x, "edge_index": edge_index,
        "is_conjugated": is_conjugated, "edge_is_aromatic": edge_is_aromatic,
        "bond_type": bond_type, "bond_dir": bond_dir, "bond_stereo": bond_stereo,
        "emb_conj": emb_conj, "emb_arom": emb_arom, "emb_btype": emb_btype,
        "emb_bdir": emb_bdir, "emb_bstereo": emb_bstereo,
        "W1": W1, "b1": b1, "W2": W2, "b2": b2,
    }


def reference(x, edge_index, is_conjugated, edge_is_aromatic, bond_type, bond_dir,
              bond_stereo, emb_conj, emb_arom, emb_btype, emb_bdir, emb_bstereo,
              W1, b1, W2, b2):
    n = x.shape[0]
    # add self loops
    loop = jnp.arange(n, dtype=edge_index.dtype)
    ei = jnp.concatenate([edge_index, jnp.stack([loop, loop], axis=0)], axis=1)
    # edge embeddings: sum over the 5 bond feature tables (gathers)
    edge_emb = (emb_conj[is_conjugated] + emb_arom[edge_is_aromatic]
                + emb_btype[bond_type] + emb_bdir[bond_dir] + emb_bstereo[bond_stereo])
    # self-loop attrs are all index 0
    self_emb = emb_conj[0] + emb_arom[0] + emb_btype[0] + emb_bdir[0] + emb_bstereo[0]
    self_emb = jnp.broadcast_to(self_emb[None, :], (n, self_emb.shape[0]))
    ea = jnp.concatenate([edge_emb, self_emb], axis=0)
    # message: x_j + edge_attr ; aggregate: scatter-add by destination node
    msg = jnp.take(x, ei[0], axis=0) + ea
    aggr = jax.ops.segment_sum(msg, ei[1], num_segments=n)
    # update: 2-layer MLP
    h = jax.nn.relu(aggr @ W1 + b1)
    out = h @ W2 + b2
    return out

if __name__ == "__main__":
    import jax
    _d = setup_inputs()
    print(jax.jit(kernel)(*tuple(_d.values())))

</pallas_src>

<mosaic_0001>
#map = affine_map<(d0, d1) -> (0, 0)>
#map1 = affine_map<(d0, d1) -> (0, 0, 0)>
module attributes {stable_mosaic.version = 14 : i64} {
  func.func @sc_kernel(%arg0: i32, %arg1: i32, %arg2: memref<10000x128xf32, #tpu.memory_space<hbm>>, %arg3: memref<11592x128xf32, #tpu.memory_space<hbm>>, %arg4: memref<2528x3x128xi32, #tpu.memory_space<hbm>>, %arg5: memref<2x10112x128xf32, #tpu.memory_space<hbm>>, %arg6: memref<3x128xi32, #tpu.memory_space<vmem>>, %arg7: memref<128x128xf32, #tpu.memory_space<vmem>>, %arg8: memref<128x128xf32, #tpu.memory_space<vmem>>, %arg9: memref<10112x128xf32, #tpu.memory_space<vmem_shared>>, %arg10: memref<!tpu.dma_semaphore, #tpu.memory_space<semaphore_mem>>, %arg11: memref<!tpu.dma_semaphore, #tpu.memory_space<semaphore_mem>>) attributes {dimension_semantics = [#tpu.dimension_semantics<core_parallel>, #tpu.dimension_semantics<subcore_parallel>], iteration_bounds = array<i64: 2, 16>, scalar_prefetch = 0 : i64, scratch_operands = 6 : i64, tpu.core_type = #tpu.core_type<sc_vector_subcore>, window_params = [{transform_indices = #map}, {transform_indices = #map}, {transform_indices = #map1}, {transform_indices = #map1}]} {
    %mul3A = arith.constant 16 : i32
    %mul3A_0 = arith.muli %arg0, %mul3A : i32
    %add3A = arith.addi %mul3A_0, %arg1 : i32
    %scan3A = arith.constant 0 : i32
    %scan3A_1 = arith.constant 128 : i32
    %scan3A_2 = arith.addi %scan3A, %scan3A_1 : i32
    %scan3A_3 = arith.constant 1 : i32
    scf.for %scan3A_26 = %scan3A to %scan3A_2 step %scan3A_3  : i32 {
      %mul3A_27 = arith.constant 1 : i32
      %mul3A_28 = arith.muli %scan3A_26, %mul3A_27 : i32
      %add3A_29 = arith.constant 0 : i32
      %add3A_30 = arith.addi %add3A_29, %mul3A_28 : i32
      %scan3A_31 = arith.constant 0 : i32
      %scan3A_32 = arith.constant 8 : i32
      %scan3A_33 = arith.addi %scan3A_31, %scan3A_32 : i32
      %scan3A_34 = arith.constant 1 : i32
      scf.for %scan3A_36 = %scan3A_31 to %scan3A_33 step %scan3A_34  : i32 {
        %mul3A_37 = arith.constant 1 : i32
        %mul3A_38 = arith.muli %scan3A_36, %mul3A_37 : i32
        %add3A_39 = arith.constant 0 : i32
        %add3A_40 = arith.addi %add3A_39, %mul3A_38 : i32
        %broadcast_in_dim3A = arith.constant 0.000000e+00 : f32
        %broadcast_in_dim3A_41 = vector.broadcast %broadcast_in_dim3A : f32 to vector<16xf32>
        %mul3A_42 = arith.constant 16 : i32
        %mul3A_43 = arith.muli %add3A_40, %mul3A_42 : i32
        %swap3A = arith.index_cast %add3A_30 : i32 to index
        %swap3A_44 = arith.index_cast %mul3A_43 : i32 to index
        %swap3A_45 = tpu.vector_load %arg7[%swap3A, %swap3A_44] {strides = array<i32>} : memref<128x128xf32, #tpu.memory_space<vmem>>, vector<1x16xf32>,
        %swap3A_46 = vector.shape_cast %swap3A_45 : vector<1x16xf32> to vector<16xf32>
        %swap3A_47 = vector.shape_cast %broadcast_in_dim3A_41 : vector<16xf32> to vector<1x16xf32>
        tpu.vector_store %arg7[%swap3A, %swap3A_44], %swap3A_47 {strides = array<i32>} : memref<128x128xf32, #tpu.memory_space<vmem>>, vector<1x16xf32>,
      }
      %scan3A_35 = arith.constant 8 : i32
    }
    %scan3A_4 = arith.constant 128 : i32
    %mul3A_5 = arith.constant 632 : i32
    %mul3A_6 = arith.muli %arg1, %mul3A_5 : i32
    %scan3A_7 = arith.constant 0 : i32
    %scan3A_8 = arith.constant 4 : i32
    %scan3A_9 = arith.addi %scan3A_7, %scan3A_8 : i32
    %scan3A_10 = arith.constant 1 : i32
    scf.for %scan3A_26 = %scan3A_7 to %scan3A_9 step %scan3A_10  : i32 {
      %mul3A_27 = arith.constant 1 : i32
      %mul3A_28 = arith.muli %scan3A_26, %mul3A_27 : i32
      %add3A_29 = arith.constant 0 : i32
      %add3A_30 = arith.addi %add3A_29, %mul3A_28 : i32
      %mul3A_31 = arith.constant 128 : i32
      %mul3A_32 = arith.muli %add3A_30, %mul3A_31 : i32
      %add3A_33 = arith.addi %mul3A_6, %mul3A_32 : i32
      "tpu.region"() ({
        %run_scoped3A = tpu.sem_alloc : memref<!tpu.dma_semaphore, #tpu.memory_space<semaphore_mem>>
        %dma_start3A = arith.constant 0 : i32
        %dma_start3A_34 = tpu.memref_slice %arg9[%add3A_33, %dma_start3A] : memref<10112x128xf32, #tpu.memory_space<vmem_shared>> -> memref<128x128xf32, #tpu.memory_space<vmem_shared>>
        %dma_start3A_35 = arith.constant 0 : i32
        %dma_start3A_36 = tpu.memref_slice %arg9[%add3A_33, %dma_start3A_35] : memref<10112x128xf32, #tpu.memory_space<vmem_shared>> -> memref<128x128xf32, #tpu.memory_space<vmem_shared>>
        tpu.enqueue_dma source(%arg7 : memref<128x128xf32, #tpu.memory_space<vmem>>) target(%dma_start3A_36 : memref<128x128xf32, #tpu.memory_space<vmem_shared>>) target_semaphore(%run_scoped3A : memref<!tpu.dma_semaphore, #tpu.memory_space<semaphore_mem>>)
        %dma_wait3A = arith.constant 0 : i32
        %dma_wait3A_37 = tpu.memref_slice %arg9[%add3A_33, %dma_wait3A] : memref<10112x128xf32, #tpu.memory_space<vmem_shared>> -> memref<128x128xf32, #tpu.memory_space<vmem_shared>>
        %dma_wait3A_38 = arith.constant 0 : i32
        %dma_wait3A_39 = tpu.memref_slice %arg9[%add3A_33, %dma_wait3A_38] : memref<10112x128xf32, #tpu.memory_space<vmem_shared>> -> memref<128x128xf32, #tpu.memory_space<vmem_shared>>
        tpu.wait_dma2 semaphore(%run_scoped3A : memref<!tpu.dma_semaphore, #tpu.memory_space<semaphore_mem>>) src(%arg7 : memref<128x128xf32, #tpu.memory_space<vmem>>) dst(%dma_wait3A_39 : memref<128x128xf32, #tpu.memory_space<vmem_shared>>)
        tpu.yield
      }) : () -> ()
    }
    %scan3A_11 = arith.constant 4 : i32
    %add3A_12 = arith.constant 512 : i32
    %add3A_13 = arith.addi %mul3A_6, %add3A_12 : i32
    "tpu.region"() ({
      %run_scoped3A = tpu.sem_alloc : memref<!tpu.dma_semaphore, #tpu.memory_space<semaphore_mem>>
      %dma_start3A = arith.constant 0 : i32
      %dma_start3A_26 = arith.constant 0 : i32
      %dma_start3A_27 = tpu.memref_slice %arg7[%dma_start3A, %dma_start3A_26] : memref<128x128xf32, #tpu.memory_space<vmem>> -> memref<120x128xf32, #tpu.memory_space<vmem>>
      %dma_start3A_28 = arith.constant 0 : i32
      %dma_start3A_29 = tpu.memref_slice %arg9[%add3A_13, %dma_start3A_28] : memref<10112x128xf32, #tpu.memory_space<vmem_shared>> -> memref<120x128xf32, #tpu.memory_space<vmem_shared>>
      %dma_start3A_30 = arith.constant 0 : i32
      %dma_start3A_31 = tpu.memref_slice %arg9[%add3A_13, %dma_start3A_30] : memref<10112x128xf32, #tpu.memory_space<vmem_shared>> -> memref<120x128xf32, #tpu.memory_space<vmem_shared>>
      %dma_start3A_32 = arith.constant 0 : i32
      %dma_start3A_33 = arith.constant 0 : i32
      %dma_start3A_34 = tpu.memref_slice %arg7[%dma_start3A_32, %dma_start3A_33] : memref<128x128xf32, #tpu.memory_space<vmem>> -> memref<120x128xf32, #tpu.memory_space<vmem>>
      tpu.enqueue_dma source(%dma_start3A_34 : memref<120x128xf32, #tpu.memory_space<vmem>>) target(%dma_start3A_31 : memref<120x128xf32, #tpu.memory_space<vmem_shared>>) target_semaphore(%run_scoped3A : memref<!tpu.dma_semaphore, #tpu.memory_space<semaphore_mem>>)
      %dma_wait3A = arith.constant 0 : i32
      %dma_wait3A_35 = arith.constant 0 : i32
      %dma_wait3A_36 = tpu.memref_slice %arg7[%dma_wait3A, %dma_wait3A_35] : memref<128x128xf32, #tpu.memory_space<vmem>> -> memref<120x128xf32, #tpu.memory_space<vmem>>
      %dma_wait3A_37 = arith.constant 0 : i32
      %dma_wait3A_38 = tpu.memref_slice %arg9[%add3A_13, %dma_wait3A_37] : memref<10112x128xf32, #tpu.memory_space<vmem_shared>> -> memref<120x128xf32, #tpu.memory_space<vmem_shared>>
      %dma_wait3A_39 = arith.constant 0 : i32
      %dma_wait3A_40 = tpu.memref_slice %arg9[%add3A_13, %dma_wait3A_39] : memref<10112x128xf32, #tpu.memory_space<vmem_shared>> -> memref<120x128xf32, #tpu.memory_space<vmem_shared>>
      %dma_wait3A_41 = arith.constant 0 : i32
      %dma_wait3A_42 = arith.constant 0 : i32
      %dma_wait3A_43 = tpu.memref_slice %arg7[%dma_wait3A_41, %dma_wait3A_42] : memref<128x128xf32, #tpu.memory_space<vmem>> -> memref<120x128xf32, #tpu.memory_space<vmem>>
      tpu.wait_dma2 semaphore(%run_scoped3A : memref<!tpu.dma_semaphore, #tpu.memory_space<semaphore_mem>>) src(%dma_wait3A_43 : memref<120x128xf32, #tpu.memory_space<vmem>>) dst(%dma_wait3A_40 : memref<120x128xf32, #tpu.memory_space<vmem_shared>>)
      tpu.yield
    }) : () -> ()
    %barrier3A = arith.constant 0 : index
    tpu.barrier barrier_id(%barrier3A)
    %mul3A_14 = arith.constant 79 : i32
    %mul3A_15 = arith.muli %add3A, %mul3A_14 : i32
    %scan3A_16 = arith.constant 0 : i32
    %scan3A_17 = arith.constant 79 : i32
    %scan3A_18 = arith.addi %scan3A_16, %scan3A_17 : i32
    %scan3A_19 = arith.constant 1 : i32
    scf.for %scan3A_26 = %scan3A_16 to %scan3A_18 step %scan3A_19  : i32 {
      %mul3A_27 = arith.constant 1 : i32
      %mul3A_28 = arith.muli %scan3A_26, %mul3A_27 : i32
      %add3A_29 = arith.constant 0 : i32
      %add3A_30 = arith.addi %add3A_29, %mul3A_28 : i32
      %add3A_31 = arith.addi %mul3A_15, %add3A_30 : i32
      "tpu.region"() ({
        %run_scoped3A_59 = tpu.sem_alloc : memref<!tpu.dma_semaphore, #tpu.memory_space<semaphore_mem>>
        %dma_start3A_60 = arith.constant 0 : i32
        %dma_start3A_61 = arith.constant 0 : i32
        %dma_start3A_62 = tpu.memref_slice %arg4[%add3A_31, %dma_start3A_60, %dma_start3A_61] : memref<2528x3x128xi32, #tpu.memory_space<hbm>> -> memref<1x3x128xi32, #tpu.memory_space<hbm>>
        %dma_start3A_63 = tpu.memref_squeeze %dma_start3A_62 : memref<1x3x128xi32, #tpu.memory_space<hbm>> -> memref<3x128xi32, #tpu.memory_space<hbm>>
        %dma_start3A_64 = arith.constant 0 : i32
        %dma_start3A_65 = arith.constant 0 : i32
        %dma_start3A_66 = tpu.memref_slice %arg4[%add3A_31, %dma_start3A_64, %dma_start3A_65] : memref<2528x3x128xi32, #tpu.memory_space<hbm>> -> memref<1x3x128xi32, #tpu.memory_space<hbm>>
        %dma_start3A_67 = tpu.memref_squeeze %dma_start3A_66 : memref<1x3x128xi32, #tpu.memory_space<hbm>> -> memref<3x128xi32, #tpu.memory_space<hbm>>
        tpu.enqueue_dma source(%dma_start3A_67 : memref<3x128xi32, #tpu.memory_space<hbm>>) target(%arg6 : memref<3x128xi32, #tpu.memory_space<vmem>>) target_semaphore(%run_scoped3A_59 : memref<!tpu.dma_semaphore, #tpu.memory_space<semaphore_mem>>)
        %dma_wait3A_68 = arith.constant 0 : i32
        %dma_wait3A_69 = arith.constant 0 : i32
        %dma_wait3A_70 = tpu.memref_slice %arg4[%add3A_31, %dma_wait3A_68, %dma_wait3A_69] : memref<2528x3x128xi32, #tpu.memory_space<hbm>> -> memref<1x3x128xi32, #tpu.memory_space<hbm>>
        %dma_wait3A_71 = tpu.memref_squeeze %dma_wait3A_70 : memref<1x3x128xi32, #tpu.memory_space<hbm>> -> memref<3x128xi32, #tpu.memory_space<hbm>>
        %dma_wait3A_72 = arith.constant 0 : i32
        %dma_wait3A_73 = arith.constant 0 : i32
        %dma_wait3A_74 = tpu.memref_slice %arg4[%add3A_31, %dma_wait3A_72, %dma_wait3A_73] : memref<2528x3x128xi32, #tpu.memory_space<hbm>> -> memref<1x3x128xi32, #tpu.memory_space<hbm>>
        %dma_wait3A_75 = tpu.memref_squeeze %dma_wait3A_74 : memref<1x3x128xi32, #tpu.memory_space<hbm>> -> memref<3x128xi32, #tpu.memory_space<hbm>>
        tpu.wait_dma2 semaphore(%run_scoped3A_59 : memref<!tpu.dma_semaphore, #tpu.memory_space<semaphore_mem>>) src(%dma_wait3A_75 : memref<3x128xi32, #tpu.memory_space<hbm>>) dst(%arg6 : memref<3x128xi32, #tpu.memory_space<vmem>>)
        tpu.yield
      }) : () -> ()
      %dma_start3A = arith.constant 0 : i32
      %dma_start3A_32 = arith.constant 0 : i32
      %dma_start3A_33 = tpu.memref_slice %arg6[%dma_start3A, %dma_start3A_32] : memref<3x128xi32, #tpu.memory_space<vmem>> -> memref<1x128xi32, #tpu.memory_space<vmem>>
      %dma_start3A_34 = tpu.memref_squeeze %dma_start3A_33 : memref<1x128xi32, #tpu.memory_space<vmem>> -> memref<128xi32, #tpu.memory_space<vmem>>
      %dma_start3A_35 = arith.constant 0 : i32
      %dma_start3A_36 = arith.constant 0 : i32
      %dma_start3A_37 = tpu.memref_slice %arg2[%dma_start3A_35, %dma_start3A_36] : memref<10000x128xf32, #tpu.memory_space<hbm>> -> memref<10000x128xf32, #tpu.memory_space<hbm>>
      tpu.enqueue_indirect_dma source(%dma_start3A_37 : memref<10000x128xf32, #tpu.memory_space<hbm>>) target(%arg7 : memref<128x128xf32, #tpu.memory_space<vmem>>) offsets(%dma_start3A_34 : memref<128xi32, #tpu.memory_space<vmem>>) semaphore(%arg10 : memref<!tpu.dma_semaphore, #tpu.memory_space<semaphore_mem>>)
      %dma_start3A_38 = arith.constant 2 : i32
      %dma_start3A_39 = arith.constant 0 : i32
      %dma_start3A_40 = tpu.memref_slice %arg6[%dma_start3A_38, %dma_start3A_39] : memref<3x128xi32, #tpu.memory_space<vmem>> -> memref<1x128xi32, #tpu.memory_space<vmem>>
      %dma_start3A_41 = tpu.memref_squeeze %dma_start3A_40 : memref<1x128xi32, #tpu.memory_space<vmem>> -> memref<128xi32, #tpu.memory_space<vmem>>
      %dma_start3A_42 = arith.constant 0 : i32
      %dma_start3A_43 = arith.constant 0 : i32
      %dma_start3A_44 = tpu.memref_slice %arg3[%dma_start3A_42, %dma_start3A_43] : memref<11592x128xf32, #tpu.memory_space<hbm>> -> memref<11592x128xf32, #tpu.memory_space<hbm>>
      tpu.enqueue_indirect_dma source(%dma_start3A_44 : memref<11592x128xf32, #tpu.memory_space<hbm>>) target(%arg8 : memref<128x128xf32, #tpu.memory_space<vmem>>) offsets(%dma_start3A_41 : memref<128xi32, #tpu.memory_space<vmem>>) semaphore(%arg11 : memref<!tpu.dma_semaphore, #tpu.memory_space<semaphore_mem>>)
      %dma_wait3A = arith.constant 0 : i32
      %dma_wait3A_45 = arith.constant 0 : i32
      %dma_wait3A_46 = tpu.memref_slice %arg6[%dma_wait3A, %dma_wait3A_45] : memref<3x128xi32, #tpu.memory_space<vmem>> -> memref<1x128xi32, #tpu.memory_space<vmem>>
      %dma_wait3A_47 = tpu.memref_squeeze %dma_wait3A_46 : memref<1x128xi32, #tpu.memory_space<vmem>> -> memref<128xi32, #tpu.memory_space<vmem>>
      %dma_wait3A_48 = arith.constant 0 : i32
      %dma_wait3A_49 = arith.constant 0 : i32
      %dma_wait3A_50 = tpu.memref_slice %arg2[%dma_wait3A_48, %dma_wait3A_49] : memref<10000x128xf32, #tpu.memory_space<hbm>> -> memref<10000x128xf32, #tpu.memory_space<hbm>>
      tpu.wait_indirect_dma semaphore(%arg10 : memref<!tpu.dma_semaphore, #tpu.memory_space<semaphore_mem>>) src(%dma_wait3A_50 : memref<10000x128xf32, #tpu.memory_space<hbm>>) dst(%arg7 : memref<128x128xf32, #tpu.memory_space<vmem>>)
      %dma_wait3A_51 = arith.constant 2 : i32
      %dma_wait3A_52 = arith.constant 0 : i32
      %dma_wait3A_53 = tpu.memref_slice %arg6[%dma_wait3A_51, %dma_wait3A_52] : memref<3x128xi32, #tpu.memory_space<vmem>> -> memref<1x128xi32, #tpu.memory_space<vmem>>
      %dma_wait3A_54 = tpu.memref_squeeze %dma_wait3A_53 : memref<1x128xi32, #tpu.memory_space<vmem>> -> memref<128xi32, #tpu.memory_space<vmem>>
      %dma_wait3A_55 = arith.constant 0 : i32
      %dma_wait3A_56 = arith.constant 0 : i32
      %dma_wait3A_57 = tpu.memref_slice %arg3[%dma_wait3A_55, %dma_wait3A_56] : memref<11592x128xf32, #tpu.memory_space<hbm>> -> memref<11592x128xf32, #tpu.memory_space<hbm>>
      tpu.wait_indirect_dma semaphore(%arg11 : memref<!tpu.dma_semaphore, #tpu.memory_space<semaphore_mem>>) src(%dma_wait3A_57 : memref<11592x128xf32, #tpu.memory_space<hbm>>) dst(%arg8 : memref<128x128xf32, #tpu.memory_space<vmem>>)
      %run_scoped3A = arith.constant 1 : i32
      "tpu.region"() ({
        %run_scoped3A_59 = tpu.sem_alloc : memref<!tpu.dma_semaphore, #tpu.memory_space<semaphore_mem>>
        %dma_start3A_60 = arith.constant 0 : i32
        %dma_start3A_61 = tpu.memref_slice %arg6[%run_scoped3A, %dma_start3A_60] : memref<3x128xi32, #tpu.memory_space<vmem>> -> memref<1x128xi32, #tpu.memory_space<vmem>>
        %dma_start3A_62 = tpu.memref_squeeze %dma_start3A_61 : memref<1x128xi32, #tpu.memory_space<vmem>> -> memref<128xi32, #tpu.memory_space<vmem>>
        %dma_start3A_63 = arith.constant 0 : i32
        %dma_start3A_64 = arith.constant 0 : i32
        %dma_start3A_65 = tpu.memref_slice %arg9[%dma_start3A_63, %dma_start3A_64] : memref<10112x128xf32, #tpu.memory_space<vmem_shared>> -> memref<10112x128xf32, #tpu.memory_space<vmem_shared>>
        tpu.enqueue_indirect_dma source(%arg7 : memref<128x128xf32, #tpu.memory_space<vmem>>) target(%dma_start3A_65 : memref<10112x128xf32, #tpu.memory_space<vmem_shared>>) offsets(%dma_start3A_62 : memref<128xi32, #tpu.memory_space<vmem>>) semaphore(%run_scoped3A_59 : memref<!tpu.dma_semaphore, #tpu.memory_space<semaphore_mem>>) {add = true}
        %dma_wait3A_66 = arith.constant 0 : i32
        %dma_wait3A_67 = tpu.memref_slice %arg6[%run_scoped3A, %dma_wait3A_66] : memref<3x128xi32, #tpu.memory_space<vmem>> -> memref<1x128xi32, #tpu.memory_space<vmem>>
        %dma_wait3A_68 = tpu.memref_squeeze %dma_wait3A_67 : memref<1x128xi32, #tpu.memory_space<vmem>> -> memref<128xi32, #tpu.memory_space<vmem>>
        %dma_wait3A_69 = arith.constant 0 : i32
        %dma_wait3A_70 = arith.constant 0 : i32
        %dma_wait3A_71 = tpu.memref_slice %arg9[%dma_wait3A_69, %dma_wait3A_70] : memref<10112x128xf32, #tpu.memory_space<vmem_shared>> -> memref<10112x128xf32, #tpu.memory_space<vmem_shared>>
        tpu.wait_indirect_dma semaphore(%run_scoped3A_59 : memref<!tpu.dma_semaphore, #tpu.memory_space<semaphore_mem>>) src(%arg7 : memref<128x128xf32, #tpu.memory_space<vmem>>) dst(%dma_wait3A_71 : memref<10112x128xf32, #tpu.memory_space<vmem_shared>>)
        tpu.yield
      }) : () -> ()
      %run_scoped3A_58 = arith.constant 1 : i32
      "tpu.region"() ({
        %run_scoped3A_59 = tpu.sem_alloc : memref<!tpu.dma_semaphore, #tpu.memory_space<semaphore_mem>>
        %dma_start3A_60 = arith.constant 0 : i32
        %dma_start3A_61 = tpu.memref_slice %arg6[%run_scoped3A_58, %dma_start3A_60] : memref<3x128xi32, #tpu.memory_space<vmem>> -> memref<1x128xi32, #tpu.memory_space<vmem>>
        %dma_start3A_62 = tpu.memref_squeeze %dma_start3A_61 : memref<1x128xi32, #tpu.memory_space<vmem>> -> memref<128xi32, #tpu.memory_space<vmem>>
        %dma_start3A_63 = arith.constant 0 : i32
        %dma_start3A_64 = arith.constant 0 : i32
        %dma_start3A_65 = tpu.memref_slice %arg9[%dma_start3A_63, %dma_start3A_64] : memref<10112x128xf32, #tpu.memory_space<vmem_shared>> -> memref<10112x128xf32, #tpu.memory_space<vmem_shared>>
        tpu.enqueue_indirect_dma source(%arg8 : memref<128x128xf32, #tpu.memory_space<vmem>>) target(%dma_start3A_65 : memref<10112x128xf32, #tpu.memory_space<vmem_shared>>) offsets(%dma_start3A_62 : memref<128xi32, #tpu.memory_space<vmem>>) semaphore(%run_scoped3A_59 : memref<!tpu.dma_semaphore, #tpu.memory_space<semaphore_mem>>) {add = true}
        %dma_wait3A_66 = arith.constant 0 : i32
        %dma_wait3A_67 = tpu.memref_slice %arg6[%run_scoped3A_58, %dma_wait3A_66] : memref<3x128xi32, #tpu.memory_space<vmem>> -> memref<1x128xi32, #tpu.memory_space<vmem>>
        %dma_wait3A_68 = tpu.memref_squeeze %dma_wait3A_67 : memref<1x128xi32, #tpu.memory_space<vmem>> -> memref<128xi32, #tpu.memory_space<vmem>>
        %dma_wait3A_69 = arith.constant 0 : i32
        %dma_wait3A_70 = arith.constant 0 : i32
        %dma_wait3A_71 = tpu.memref_slice %arg9[%dma_wait3A_69, %dma_wait3A_70] : memref<10112x128xf32, #tpu.memory_space<vmem_shared>> -> memref<10112x128xf32, #tpu.memory_space<vmem_shared>>
        tpu.wait_indirect_dma semaphore(%run_scoped3A_59 : memref<!tpu.dma_semaphore, #tpu.memory_space<semaphore_mem>>) src(%arg8 : memref<128x128xf32, #tpu.memory_space<vmem>>) dst(%dma_wait3A_71 : memref<10112x128xf32, #tpu.memory_space<vmem_shared>>)
        tpu.yield
      }) : () -> ()
    }
    %scan3A_20 = arith.constant 79 : i32
    %barrier3A_21 = arith.constant 0 : index
    tpu.barrier barrier_id(%barrier3A_21)
    %mul3A_22 = arith.constant 632 : i32
    %mul3A_23 = arith.muli %arg1, %mul3A_22 : i32
    %mul3A_24 = arith.constant 632 : i32
    %mul3A_25 = arith.muli %arg1, %mul3A_24 : i32
    "tpu.region"() ({
      %run_scoped3A = tpu.sem_alloc : memref<!tpu.dma_semaphore, #tpu.memory_space<semaphore_mem>>
      %dma_start3A = arith.constant 0 : i32
      %dma_start3A_26 = tpu.memref_slice %arg5[%arg0, %mul3A_25, %dma_start3A] : memref<2x10112x128xf32, #tpu.memory_space<hbm>> -> memref<1x632x128xf32, #tpu.memory_space<hbm>>
      %dma_start3A_27 = tpu.memref_squeeze %dma_start3A_26 : memref<1x632x128xf32, #tpu.memory_space<hbm>> -> memref<632x128xf32, #tpu.memory_space<hbm>>
      %dma_start3A_28 = arith.constant 0 : i32
      %dma_start3A_29 = tpu.memref_slice %arg9[%mul3A_23, %dma_start3A_28] : memref<10112x128xf32, #tpu.memory_space<vmem_shared>> -> memref<632x128xf32, #tpu.memory_space<vmem_shared>>
      tpu.enqueue_dma source(%dma_start3A_29 : memref<632x128xf32, #tpu.memory_space<vmem_shared>>) target(%dma_start3A_27 : memref<632x128xf32, #tpu.memory_space<hbm>>) target_semaphore(%run_scoped3A : memref<!tpu.dma_semaphore, #tpu.memory_space<semaphore_mem>>)
      %dma_wait3A = arith.constant 0 : i32
      %dma_wait3A_30 = tpu.memref_slice %arg5[%arg0, %mul3A_25, %dma_wait3A] : memref<2x10112x128xf32, #tpu.memory_space<hbm>> -> memref<1x632x128xf32, #tpu.memory_space<hbm>>
      %dma_wait3A_31 = tpu.memref_squeeze %dma_wait3A_30 : memref<1x632x128xf32, #tpu.memory_space<hbm>> -> memref<632x128xf32, #tpu.memory_space<hbm>>
      %dma_wait3A_32 = arith.constant 0 : i32
      %dma_wait3A_33 = tpu.memref_slice %arg9[%mul3A_23, %dma_wait3A_32] : memref<10112x128xf32, #tpu.memory_space<vmem_shared>> -> memref<632x128xf32, #tpu.memory_space<vmem_shared>>
      tpu.wait_dma2 semaphore(%run_scoped3A : memref<!tpu.dma_semaphore, #tpu.memory_space<semaphore_mem>>) src(%dma_wait3A_33 : memref<632x128xf32, #tpu.memory_space<vmem_shared>>) dst(%dma_wait3A_31 : memref<632x128xf32, #tpu.memory_space<hbm>>)
      tpu.yield
    }) : () -> ()
    return
  }
}

module attributes {stable_mosaic.version = 14 : i64} {
  func.func @_build_tables_body(%arg0: memref<3x128xf32, #tpu.memory_space<vmem>>, %arg1: memref<3x128xf32, #tpu.memory_space<vmem>>, %arg2: memref<23x128xf32, #tpu.memory_space<vmem>>, %arg3: memref<8x128xf32, #tpu.memory_space<vmem>>, %arg4: memref<7x128xf32, #tpu.memory_space<vmem>>, %arg5: memref<2528x128xi32, #tpu.memory_space<vmem>>, %arg6: memref<2528x128xi32, #tpu.memory_space<vmem>>, %arg7: memref<2528x128xi32, #tpu.memory_space<vmem>>, %arg8: memref<2528x128xi32, #tpu.memory_space<vmem>>, %arg9: memref<2528x128xi32, #tpu.memory_space<vmem>>, %arg10: memref<11592x128xf32, #tpu.memory_space<vmem>>, %arg11: memref<2528x128xi32, #tpu.memory_space<vmem>>) attributes {dimension_semantics = [], scalar_prefetch = 0 : i64, scratch_operands = 0 : i64, tpu.core_type = #tpu.core_type<tc>} {
    %get3A = arith.constant 0 : index
    %get3A_0 = arith.constant 0 : index
    %get3A_1 = vector.load %arg0[%get3A, %get3A_0] : memref<3x128xf32, #tpu.memory_space<vmem>>, vector<3x128xf32>
    %get3A_2 = arith.constant 0 : index
    %get3A_3 = arith.constant 0 : index
    %get3A_4 = vector.load %arg1[%get3A_2, %get3A_3] : memref<3x128xf32, #tpu.memory_space<vmem>>, vector<3x128xf32>
    %get3A_5 = arith.constant 0 : index
    %get3A_6 = arith.constant 0 : index
    %get3A_7 = vector.load %arg2[%get3A_5, %get3A_6] : memref<23x128xf32, #tpu.memory_space<vmem>>, vector<23x128xf32>
    %get3A_8 = arith.constant 0 : index
    %get3A_9 = arith.constant 0 : index
    %get3A_10 = vector.load %arg3[%get3A_8, %get3A_9] : memref<8x128xf32, #tpu.memory_space<vmem>>, vector<8x128xf32>
    %get3A_11 = arith.constant 0 : index
    %get3A_12 = arith.constant 0 : index
    %get3A_13 = vector.load %arg4[%get3A_11, %get3A_12] : memref<7x128xf32, #tpu.memory_space<vmem>>, vector<7x128xf32>
    %broadcast_in_dim3A = vector.shape_cast %get3A_1 : vector<3x128xf32> to vector<3x1x128xf32>
    %broadcast_in_dim3A_14 = vector.shape_cast %get3A_4 : vector<3x128xf32> to vector<1x3x128xf32>
    %add3A = vector.broadcast %broadcast_in_dim3A : vector<3x1x128xf32> to vector<3x3x128xf32>
    %add3A_15 = vector.broadcast %broadcast_in_dim3A_14 : vector<1x3x128xf32> to vector<3x3x128xf32>
    %add3A_16 = arith.addf %add3A, %add3A_15 : vector<3x3x128xf32>
    %reshape3A = vector.shape_cast %add3A_16 : vector<3x3x128xf32> to vector<9x128xf32>
    %broadcast_in_dim3A_17 = vector.shape_cast %reshape3A : vector<9x128xf32> to vector<9x1x128xf32>
    %broadcast_in_dim3A_18 = vector.shape_cast %get3A_7 : vector<23x128xf32> to vector<1x23x128xf32>
    %add3A_19 = vector.broadcast %broadcast_in_dim3A_17 : vector<9x1x128xf32> to vector<9x23x128xf32>
    %add3A_20 = vector.broadcast %broadcast_in_dim3A_18 : vector<1x23x128xf32> to vector<9x23x128xf32>
    %add3A_21 = arith.addf %add3A_19, %add3A_20 : vector<9x23x128xf32>
    %reshape3A_22 = vector.shape_cast %add3A_21 : vector<9x23x128xf32> to vector<207x128xf32>
    %broadcast_in_dim3A_23 = vector.shape_cast %reshape3A_22 : vector<207x128xf32> to vector<207x1x128xf32>
    %broadcast_in_dim3A_24 = vector.shape_cast %get3A_10 : vector<8x128xf32> to vector<1x8x128xf32>
    %add3A_25 = vector.broadcast %broadcast_in_dim3A_23 : vector<207x1x128xf32> to vector<207x8x128xf32>
    %add3A_26 = vector.broadcast %broadcast_in_dim3A_24 : vector<1x8x128xf32> to vector<207x8x128xf32>
    %add3A_27 = arith.addf %add3A_25, %add3A_26 : vector<207x8x128xf32>
    %reshape3A_28 = vector.shape_cast %add3A_27 : vector<207x8x128xf32> to vector<1656x128xf32>
    %broadcast_in_dim3A_29 = vector.shape_cast %reshape3A_28 : vector<1656x128xf32> to vector<1656x1x128xf32>
    %broadcast_in_dim3A_30 = vector.shape_cast %get3A_13 : vector<7x128xf32> to vector<1x7x128xf32>
    %add3A_31 = vector.broadcast %broadcast_in_dim3A_29 : vector<1656x1x128xf32> to vector<1656x7x128xf32>
    %add3A_32 = vector.broadcast %broadcast_in_dim3A_30 : vector<1x7x128xf32> to vector<1656x7x128xf32>
    %add3A_33 = arith.addf %add3A_31, %add3A_32 : vector<1656x7x128xf32>
    %reshape3A_34 = vector.shape_cast %add3A_33 : vector<1656x7x128xf32> to vector<11592x128xf32>
    %swap3A = arith.constant 0 : index
    %swap3A_35 = arith.constant 0 : index
    %swap3A_36 = vector.load %arg10[%swap3A, %swap3A_35] : memref<11592x128xf32, #tpu.memory_space<vmem>>, vector<11592x128xf32>
    tpu.vector_store %arg10[%swap3A, %swap3A_35], %reshape3A_34 {strides = array<i32>} : memref<11592x128xf32, #tpu.memory_space<vmem>>, vector<11592x128xf32>,
    %get3A_37 = arith.constant 0 : index
    %get3A_38 = arith.constant 0 : index
    %get3A_39 = vector.load %arg5[%get3A_37, %get3A_38] : memref<2528x128xi32, #tpu.memory_space<vmem>>, vector<2528x128xi32>
    %mul3A = arith.constant 3 : i32
    %mul3A_40 = vector.broadcast %mul3A : i32 to vector<2528x128xi32>
    %mul3A_41 = arith.muli %get3A_39, %mul3A_40 : vector<2528x128xi32>
    %get3A_42 = arith.constant 0 : index
    %get3A_43 = arith.constant 0 : index
    %get3A_44 = vector.load %arg6[%get3A_42, %get3A_43] : memref<2528x128xi32, #tpu.memory_space<vmem>>, vector<2528x128xi32>
    %add3A_45 = arith.addi %mul3A_41, %get3A_44 : vector<2528x128xi32>
    %mul3A_46 = arith.constant 23 : i32
    %mul3A_47 = vector.broadcast %mul3A_46 : i32 to vector<2528x128xi32>
    %mul3A_48 = arith.muli %add3A_45, %mul3A_47 : vector<2528x128xi32>
    %get3A_49 = arith.constant 0 : index
    %get3A_50 = arith.constant 0 : index
    %get3A_51 = vector.load %arg7[%get3A_49, %get3A_50] : memref<2528x128xi32, #tpu.memory_space<vmem>>, vector<2528x128xi32>
    %add3A_52 = arith.addi %mul3A_48, %get3A_51 : vector<2528x128xi32>
    %mul3A_53 = arith.constant 8 : i32
    %mul3A_54 = vector.broadcast %mul3A_53 : i32 to vector<2528x128xi32>
    %mul3A_55 = arith.muli %add3A_52, %mul3A_54 : vector<2528x128xi32>
    %get3A_56 = arith.constant 0 : index
    %get3A_57 = arith.constant 0 : index
    %get3A_58 = vector.load %arg8[%get3A_56, %get3A_57] : memref<2528x128xi32, #tpu.memory_space<vmem>>, vector<2528x128xi32>
    %add3A_59 = arith.addi %mul3A_55, %get3A_58 : vector<2528x128xi32>
    %mul3A_60 = arith.constant 7 : i32
    %mul3A_61 = vector.broadcast %mul3A_60 : i32 to vector<2528x128xi32>
    %mul3A_62 = arith.muli %add3A_59, %mul3A_61 : vector<2528x128xi32>
    %get3A_63 = arith.constant 0 : index
    %get3A_64 = arith.constant 0 : index
    %get3A_65 = vector.load %arg9[%get3A_63, %get3A_64] : memref<2528x128xi32, #tpu.memory_space<vmem>>, vector<2528x128xi32>
    %add3A_66 = arith.addi %mul3A_62, %get3A_65 : vector<2528x128xi32>
    %swap3A_67 = arith.constant 0 : index
    %swap3A_68 = arith.constant 0 : index
    %swap3A_69 = vector.load %arg11[%swap3A_67, %swap3A_68] : memref<2528x128xi32, #tpu.memory_space<vmem>>, vector<2528x128xi32>
    tpu.vector_store %arg11[%swap3A_67, %swap3A_68], %add3A_66 {strides = array<i32>} : memref<2528x128xi32, #tpu.memory_space<vmem>>, vector<2528x128xi32>,
    return
  }
}

module attributes {stable_mosaic.version = 14 : i64} {
  func.func @_final_body(%arg0: memref<2x10112x128xf32, #tpu.memory_space<vmem>>, %arg1: memref<10000x128xf32, #tpu.memory_space<vmem>>, %arg2: memref<3x128xf32, #tpu.memory_space<vmem>>, %arg3: memref<3x128xf32, #tpu.memory_space<vmem>>, %arg4: memref<23x128xf32, #tpu.memory_space<vmem>>, %arg5: memref<8x128xf32, #tpu.memory_space<vmem>>, %arg6: memref<7x128xf32, #tpu.memory_space<vmem>>, %arg7: memref<128x256xf32, #tpu.memory_space<vmem>>, %arg8: memref<1x256xf32, #tpu.memory_space<vmem>>, %arg9: memref<256x128xf32, #tpu.memory_space<vmem>>, %arg10: memref<1x128xf32, #tpu.memory_space<vmem>>, %arg11: memref<10000x128xf32, #tpu.memory_space<vmem>>) attributes {dimension_semantics = [], scalar_prefetch = 0 : i64, scratch_operands = 0 : i64, tpu.core_type = #tpu.core_type<tc>} {
    %get3A = arith.constant 0 : index
    %get3A_0 = arith.constant 0 : index
    %get3A_1 = vector.load %arg2[%get3A, %get3A_0] : memref<3x128xf32, #tpu.memory_space<vmem>>, vector<1x128xf32>
    %get3A_2 = arith.constant 0 : index
    %get3A_3 = arith.constant 0 : index
    %get3A_4 = vector.load %arg3[%get3A_2, %get3A_3] : memref<3x128xf32, #tpu.memory_space<vmem>>, vector<1x128xf32>
    %add3A = arith.addf %get3A_1, %get3A_4 : vector<1x128xf32>
    %get3A_5 = arith.constant 0 : index
    %get3A_6 = arith.constant 0 : index
    %get3A_7 = vector.load %arg4[%get3A_5, %get3A_6] : memref<23x128xf32, #tpu.memory_space<vmem>>, vector<1x128xf32>
    %add3A_8 = arith.addf %add3A, %get3A_7 : vector<1x128xf32>
    %get3A_9 = arith.constant 0 : index
    %get3A_10 = arith.constant 0 : index
    %get3A_11 = vector.load %arg5[%get3A_9, %get3A_10] : memref<8x128xf32, #tpu.memory_space<vmem>>, vector<1x128xf32>
    %add3A_12 = arith.addf %add3A_8, %get3A_11 : vector<1x128xf32>
    %get3A_13 = arith.constant 0 : index
    %get3A_14 = arith.constant 0 : index
    %get3A_15 = vector.load %arg6[%get3A_13, %get3A_14] : memref<7x128xf32, #tpu.memory_space<vmem>>, vector<1x128xf32>
    %add3A_16 = arith.addf %add3A_12, %get3A_15 : vector<1x128xf32>
    %get3A_17 = arith.constant 0 : index
    %get3A_18 = arith.constant 0 : index
    %get3A_19 = arith.constant 0 : index
    %get3A_20 = vector.load %arg0[%get3A_17, %get3A_18, %get3A_19] : memref<2x10112x128xf32, #tpu.memory_space<vmem>>, vector<1x10000x128xf32>
    %get3A_21 = vector.shape_cast %get3A_20 : vector<1x10000x128xf32> to vector<10000x128xf32>
    %get3A_22 = arith.constant 1 : index
    %get3A_23 = arith.constant 0 : index
    %get3A_24 = arith.constant 0 : index
    %get3A_25 = vector.load %arg0[%get3A_22, %get3A_23, %get3A_24] : memref<2x10112x128xf32, #tpu.memory_space<vmem>>, vector<1x10000x128xf32>
    %get3A_26 = vector.shape_cast %get3A_25 : vector<1x10000x128xf32> to vector<10000x128xf32>
    %add3A_27 = arith.addf %get3A_21, %get3A_26 : vector<10000x128xf32>
    %get3A_28 = arith.constant 0 : index
    %get3A_29 = arith.constant 0 : index
    %get3A_30 = vector.load %arg1[%get3A_28, %get3A_29] : memref<10000x128xf32, #tpu.memory_space<vmem>>, vector<10000x128xf32>
    %add3A_31 = arith.addf %add3A_27, %get3A_30 : vector<10000x128xf32>
    %add3A_32 = vector.broadcast %add3A_16 : vector<1x128xf32> to vector<10000x128xf32>
    %add3A_33 = arith.addf %add3A_31, %add3A_32 : vector<10000x128xf32>
    %get3A_34 = arith.constant 0 : index
    %get3A_35 = arith.constant 0 : index
    %get3A_36 = vector.load %arg7[%get3A_34, %get3A_35] : memref<128x256xf32, #tpu.memory_space<vmem>>, vector<128x256xf32>
    %dot_general3A = arith.constant dense<0.000000e+00> : vector<10000x256xf32>
    %dot_general3A_37 = tpu.matmul %add3A_33, %get3A_36, %dot_general3A {dimension_numbers = #tpu.dot_dimension_numbers<[1], [0], [0], [1], [0, 0, 1, 1], [], []>, transpose_lhs_hint = false} : vector<10000x128xf32>, vector<128x256xf32>, vector<10000x256xf32> -> vector<10000x256xf32>
    %get3A_38 = arith.constant 0 : index
    %get3A_39 = arith.constant 0 : index
    %get3A_40 = vector.load %arg8[%get3A_38, %get3A_39] : memref<1x256xf32, #tpu.memory_space<vmem>>, vector<1x256xf32>
    %add3A_41 = vector.broadcast %get3A_40 : vector<1x256xf32> to vector<10000x256xf32>
    %add3A_42 = arith.addf %dot_general3A_37, %add3A_41 : vector<10000x256xf32>
    %max3A = arith.constant 0.000000e+00 : f32
    %max3A_43 = vector.broadcast %max3A : f32 to vector<10000x256xf32>
    %max3A_44 = arith.maximumf %add3A_42, %max3A_43 : vector<10000x256xf32>
    %get3A_45 = arith.constant 0 : index
    %get3A_46 = arith.constant 0 : index
    %get3A_47 = vector.load %arg9[%get3A_45, %get3A_46] : memref<256x128xf32, #tpu.memory_space<vmem>>, vector<256x128xf32>
    %dot_general3A_48 = arith.constant dense<0.000000e+00> : vector<10000x128xf32>
    %dot_general3A_49 = tpu.matmul %max3A_44, %get3A_47, %dot_general3A_48 {dimension_numbers = #tpu.dot_dimension_numbers<[1], [0], [0], [1], [0, 0, 1, 1], [], []>, transpose_lhs_hint = false} : vector<10000x256xf32>, vector<256x128xf32>, vector<10000x128xf32> -> vector<10000x128xf32>
    %get3A_50 = arith.constant 0 : index
    %get3A_51 = arith.constant 0 : index
    %get3A_52 = vector.load %arg10[%get3A_50, %get3A_51] : memref<1x128xf32, #tpu.memory_space<vmem>>, vector<1x128xf32>
    %add3A_53 = vector.broadcast %get3A_52 : vector<1x128xf32> to vector<10000x128xf32>
    %add3A_54 = arith.addf %dot_general3A_49, %add3A_53 : vector<10000x128xf32>
    %swap3A = arith.constant 0 : index
    %swap3A_55 = arith.constant 0 : index
    %swap3A_56 = vector.load %arg11[%swap3A, %swap3A_55] : memref<10000x128xf32, #tpu.memory_space<vmem>>, vector<10000x128xf32>
    tpu.vector_store %arg11[%swap3A, %swap3A_55], %add3A_54 {strides = array<i32>} : memref<10000x128xf32, #tpu.memory_space<vmem>>, vector<10000x128xf32>,
    return
  }
}

</mosaic_0001>

<sc_bundles>
// kernel: kernel.5.cloned.1.call-start
scs
__scs_entry_jumppad:
0x0: {  	(pc) =	sbr.rel $0x88, $3  }
0x1: {  	(tag) =	ssettag $0x0;
	lr =	simm.s32 $0x1  }
0x2: {  	[smem:$0x3F91] =	sst lr;
	_ =	strace $0xD0000000  }
0x3: {  	_ = 	snop  }
0x4: {  	_ = 	snop  }
0x5: {  	_ = 	snop  }
0x6: {  	_ = 	snop  }
0x7: {  	_ = 	snop  }
__scs_overlays_trampoline_lowered:
0x8: {  	[smem:$0x3FA0] =	sst s0  }
0x9: {  	[smem:$0x3FA1] =	sst s1  }
0xa: {  	[smem:$0x3FA2] =	sst s2  }
0xb: {  	[smem:$0x3FA3] =	sst s3  }
0xc: {  	[smem:$0x3FA4] =	sst s4  }
0xd: {  	[smem:$0x3FA5] =	sst s5  }
0xe: {  	[smem:$0x3FA6] =	sst s6  }
0xf: {  	[smem:$0x3FA7] =	sst s7  }
0x10: {  	[smem:$0x3FA8] =	sst s8  }
0x11: {  	[smem:$0x3FA9] =	sst s9;
	s0 =	simm.s32 @!p0 $0x0  }
0x12: {  	s1 =	sld [smem:$0x3F8F];
	s0 =	simm.s32 @p0 $0x1  }
0x13: {  	[smem:$0x3FAA] =	sst s0;
	s0 =	simm.s32 @!p1 $0x0  }
0x14: {  	s2 =	sld [smem:$0x3F8E];
	s0 =	simm.s32 @p1 $0x1  }
0x15: {  	[smem:$0x3FAB] =	sst s0;
	s0 =	simm.s32 @!p2 $0x0  }
0x16: {  	s3 =	sld [smem:$0x3FDB];
	s0 =	simm.s32 @p2 $0x1  }
0x17: {  	s4 =	simm.s32 $0x1BF5;
	[smem:$0x3FAD] =	sst s0  }
0x18: {  	s0 =	sld [smem:$0x3F90];
	_ =	swait.ge [sflag:s4], $0x0  }
0x19: {  	s7 =	sld [smem:$0x3F91]  }
0x1a: {  	s8 =	sadd.s32 $0xFFFFE003, lr  }
0x1b: {  	s9 =	sadd.s32 $0xFFFFFEF7, lr;
	s5 =	simm.s32 $0xFFFFFFFF;
	p2 =	slt.u32 s8, $0xFFFFF086  }
0x1c: {  	p1 =	slt.u32 s9, $0xF7A;
	s5 =	simm.s32 @!p2 $0x0  }
0x1d: {  	s5 =	simm.s32 @p1 $0x1;
	p0 =	seq.s32 s7, s2  }
0x1e: {  	s7 =	smul.u32 @!p0 $0xF7A, s2;
	p2 =	seq.s32 @!p0 s5, $0x0  }
0x1f: {  	s9 =	smul.u32 $0xF7A, s1;
	s8 =	simm.s32 @!p0 $0x1BF5;
	p2 =	por !p2, p0  }
0x20: {  	[sflag:s8] =	ssyncset.s32 @!p0 $0xFFFFF086;
	s6 =	sadd.s32 @!p0 s3, s7;
	s7 =	simm.s32 @!p0 $0x108  }
0x21: {  	s3 =	sadd.s32 s3, s9;
	s6 =	sadd.s32 @!p0 $0x88, s6;
	s7 =	simm.s32 @p2 $0x1082  }
0x22: {  	[simem:s7], [sflag:s8] =	dma.local @!p0 [hbm:s6], $0xF7A  }
0x23: {  	s9 =	sor.u32 $0xD0000000, s2;
	s6 =	simm.s32 $0x108;
	_ =	swait.ge @!p0 [sflag:s8], $0x0  }
0x24: {  	s3 =	sadd.s32 $0x88, s3;
	s6 =	simm.s32 @!p1 $0x1082;
	[sflag:s4] =	ssyncset.s32 $0xFFFFF086  }
0x25: {  	[simem:s6], [sflag:s4] =	dma.local [hbm:s3], $0xF7A  }
0x26: {  	[smem:$0x3F91] =	sst s1;
	(tag) =	ssettag s2;
	_ =	strace s9  }
0x27: {  	s1 =	sld [smem:$0x3FA1]  }
0x28: {  	s2 =	sld [smem:$0x3FA2]  }
0x29: {  	s4 =	sld [smem:$0x3FA4]  }
0x2a: {  	p0 =	seq.s32 s5, $0x0;
	s5 =	sld [smem:$0x3FA5]  }
0x2b: {  	s6 =	sld [smem:$0x3FA6]  }
0x2c: {  	s7 =	sld [smem:$0x3FA7]  }
0x2d: {  	s3 =	simm.s32 $0x108;
	s8 =	sld [smem:$0x3FA8]  }
0x2e: {  	s3 =	simm.s32 @!p0 $0x1082;
	s9 =	sld [smem:$0x3FA9]  }
0x2f: {  	lr =	sadd.s32 s0, s3;
	s0 =	sld [smem:$0x3FA0]  }
0x30: {  	s3 =	sld [smem:$0x3FA3]  }
0x31: {  	[smem:$0x3FAC] =	sst s10  }
0x32: {  	s10 =	sld [smem:$0x3FAA];
	_ =	sdelay $0x3  }
0x33: {  	p0 =	seq.s32 s10, $0x1;
	s10 =	sld [smem:$0x3FAC];
	_ =	sdelay $0x3  }
0x34: {  	[smem:$0x3FAC] =	sst s10  }
0x35: {  	s10 =	sld [smem:$0x3FAB];
	_ =	sdelay $0x3  }
0x36: {  	p1 =	seq.s32 s10, $0x1;
	s10 =	sld [smem:$0x3FAC];
	_ =	sdelay $0x3  }
0x37: {  	[smem:$0x3FAC] =	sst s10  }
0x38: {  	s10 =	sld [smem:$0x3FAD]  }
0x39: {  	_ = 	snop;
	(pc) =	sbr.ind lr, $3  }
0x3a: {  	_ = 	snop  }
0x3b: {  	_ = 	snop  }
0x3c: {  	p2 =	seq.s32 s10, $0x1;
	s10 =	sld [smem:$0x3FAC]  }
0x3d: {  	_ =	shalt  }
0x3e: {  	_ =	shalt  }
0x3f: {  	_ =	shalt  }
0x40: {  	_ =	shalt  }
0x41: {  	_ =	shalt  }
0x42: {  	_ =	shalt  }
0x43: {  	_ =	shalt  }
0x44: {  	_ =	shalt  }
0x45: {  	_ =	shalt  }
0x46: {  	_ =	shalt  }
0x47: {  	_ =	shalt  }
0x48: {  	_ =	shalt  }
0x49: {  	_ =	shalt  }
0x4a: {  	_ =	shalt  }
0x4b: {  	_ =	shalt  }
0x4c: {  	_ =	shalt  }
0x4d: {  	_ =	shalt  }
0x4e: {  	_ =	shalt  }
0x4f: {  	_ =	shalt  }
0x50: {  	_ =	shalt  }
0x51: {  	_ =	shalt  }
0x52: {  	_ =	shalt  }
0x53: {  	_ =	shalt  }
0x54: {  	_ =	shalt  }
0x55: {  	_ =	shalt  }
0x56: {  	_ =	shalt  }
0x57: {  	_ =	shalt  }
0x58: {  	_ =	shalt  }
0x59: {  	_ =	shalt  }
0x5a: {  	_ =	shalt  }
0x5b: {  	_ =	shalt  }
0x5c: {  	_ =	shalt  }
0x5d: {  	_ =	shalt  }
0x5e: {  	_ =	shalt  }
0x5f: {  	_ =	shalt  }
0x60: {  	_ =	shalt  }
0x61: {  	_ =	shalt  }
0x62: {  	_ =	shalt  }
0x63: {  	_ =	shalt  }
0x64: {  	_ =	shalt  }
0x65: {  	_ =	shalt  }
0x66: {  	_ =	shalt  }
0x67: {  	_ =	shalt  }
0x68: {  	_ =	shalt  }
0x69: {  	_ =	shalt  }
0x6a: {  	_ =	shalt  }
0x6b: {  	_ =	shalt  }
0x6c: {  	_ =	shalt  }
0x6d: {  	_ =	shalt  }
0x6e: {  	_ =	shalt  }
0x6f: {  	_ =	shalt  }
0x70: {  	_ =	shalt  }
0x71: {  	_ =	shalt  }
0x72: {  	_ =	shalt  }
0x73: {  	_ =	shalt  }
0x74: {  	_ =	shalt  }
0x75: {  	_ =	shalt  }
0x76: {  	_ =	shalt  }
0x77: {  	_ =	shalt  }
0x78: {  	_ =	shalt  }
0x79: {  	_ =	shalt  }
0x7a: {  	_ =	shalt  }
0x7b: {  	_ =	shalt  }
0x7c: {  	_ =	shalt  }
0x7d: {  	_ =	shalt  }
0x7e: {  	_ =	shalt  }
0x7f: {  	_ =	shalt  }
0x80: {  	_ =	shalt  }
0x81: {  	_ =	shalt  }
0x82: {  	_ =	shalt  }
0x83: {  	_ =	shalt  }
0x84: {  	_ =	shalt  }
0x85: {  	_ =	shalt  }
0x86: {  	_ =	shalt  }
0x87: {  	_ =	shalt  }
.Lfunc_end0:
.L_simem_size_0:
called_computation_lowered:
.L_overlay_start_0:
0x88: {  	s2 =	sld [smem:$0x3FD9]  }
0x89: {  	s3 =	sld [smem:$0x3FFE];
	_ =	sdelay $0x1  }
0x8a: {  	s1 =	srdreg.scid  }
0x8b: {  	s0 =	sand.u32 $0x1, s1  }
0x8c: {  	s17 =	sshll.u32 s0, $0xA;
	s2 =	sadd.s32 s3, s2  }
0x8d: {  	s2 =	sadd.s32 s2, s17  }
0x8e: {  	[smem:$0x3FB8] =	sst s2  }
0x8f: {  	_ = 	snop  }
0x90: {  	s2 =	sld [smem:$0x3FC9];
	(tm) =	ssettm $0x1  }
0x91: {  	s18 =	sld [smem:$0x3FFB];
	_ =	sdelay $0x3  }
0x92: {  	_ =	strace s18  }
0x93: {  	s3 =	sld [smem:$0x3FFC];
	_ =	sdelay $0x3  }
0x94: {  	_ =	strace s3  }
0x95: {  	s3 =	sld [smem:$0x3FFD];
	_ =	sdelay $0x3  }
0x96: {  	_ =	strace s3  }
0x97: {  	_ =	strace $0x8FFFFFFF  }
0x98: {  	s19 =	sld [smem:$0x3FDB];
	_ =	sdelay $0x1  }
0x99: {  	s4 =	simm.s32 $_scs_section_size  }
0x9a: {  	s5 =	simm.s32 $_size__tile_overlayer_lowered;
	s6 =	simm.s32 $_tile_overlayer_lowered  }
0x9b: {  	s22 =	simm.s32 $0x1BFF;
	s21 =	sshll.u32 s6, $0x1;
	s3 =	sadd.s32 s4, s19  }
0x9c: {  	s7 =	simm.s32 $0x0;
	s20 =	sshll.u32 s5, $0x1;
	s5 =	sadd.s32 s21, s3  }
0x9d: {  	[timem:s7], [sflag:s22] =	dma.local [hbm:s5], s20  }
0x9e: {  	_ =	swait.ge [sflag:s22], s20  }
0x9f: {  	s4 =	ssub.s32 $0x0, s20;
	[sflag:s22] =	ssyncset.done $0x0  }
0xa0: {  	[sflag:s22] =	ssyncadd.s32 s4;
	_ =	sdelay $0x1  }
0xa1: {  	s23 =	simm.s32 $0x1B8B  }
0xa2: {  	_ =	swait.ge [sflag:s23], $0x1  }
0xa3: {  	[sflag:s23] =	ssyncset.done $0x0  }
0xa4: {  	s25 =	simm.s32 $0x1B8E;
	s24 =	sld [smem:$0x3FFE];
	[sflag:s23] =	ssyncadd.s32 $0xFFFFFFFF  }
0xa5: {  	s26 =	simm.s32 $execute0_lowered;
	[smem:$0x3FD2] =	sst s25  }
0xa6: {  	s5 =	sshll.u32 s26, $0x1;
	_ =	strace $0x80000046;
	[dreg:$0x1] =	wrdreg $0xFFFFFFFF  }
0xa7: {  	s28 =	simm.s32 $_size_execute0_lowered;
	s3 =	sadd.s32 s3, s5;
	[dreg:$0x0] =	wrdreg $0x0  }
0xa8: {  	s5 =	sshll.u32 s28, $0x1;
	[dreg:$0x2] =	wrdreg s3  }
0xa9: {  	[dreg:$0x3] =	wrdreg s5  }
0xaa: {  	[dreg:$0x4] =	wrdreg $0xC0  }
0xab: {  	_ =	task [dreg:s7], $0x5FFFF  }
0xac: {  	[dreg:$0x1] =	wrdreg $0xFFFFFFFF  }
0xad: {  	[dreg:$0x0] =	wrdreg $0x60  }
0xae: {  	[dreg:$0x2] =	wrdreg s2  }
0xaf: {  	[dreg:$0x3] =	wrdreg s24  }
0xb0: {  	[dreg:$0x4] =	wrdreg $0x82000  }
0xb1: {  	[dreg:$0x5] =	wrdreg $0x9  }
0xb2: {  	_ =	task.clear_ibuf [dreg:s7], $0x6FFFF;
	_ =	strace $0x90000046  }
0xb3: {  	s29 =	simm.s32 $0x9;
	_ =	strace $0x80000048  }
0xb4: {  	_ =	swait.ge [sflag:s29], $0x1  }
0xb5: {  	[sflag:s29] =	ssyncadd.s32 $0xFFFFFFFF  }
0xb6: {  	_ =	strace $0x90000048  }
0xb7: {  	_ =	sfence  }
0xb8: {  	s30 =	sld [smem:$0x0];
	_ =	sdelay $0x2  }
0xb9: {  	s31 =	sshll.u32 s1, $0xD;
	s1 =	sshrl.u32 s1, $0x2  }
0xba: {  	s3 =	sand.u32 $0x4000, s31;
	s1 =	sadd.s32 s1, s30  }
0xbb: {  	s0 =	sor.u32 s3, s0;
	s1 =	sshll.u32 s1, $0x11  }
0xbc: {  	s0 =	sor.u32 s1, s0  }
0xbd: {  	s0 =	sadd.s32 $0x8F2B, s0  }
0xbe: {  	[sflag:s0] =	ssyncadd.remote.s32 $0x1  }
0xbf: {  	_ =	sfence.sel $0xFFFF  }
0xc0: {  	[dreg:$0x0] =	wrdreg $0xFFFFFFFF;
	(pc) =	sbr.abs _section_cstart, $3  }
0xc1: {  	[dreg:$0x1] =	wrdreg $0xFFFFFFFF  }
0xc2: {  	_ =	task.clear_ibuf [dreg:s7], $0x2FFFF;
	_ =	strace $0x9FFFFFFF  }
0xc3: {  	(tm) =	ssettm $0x7FFFFFFF  }
tec
execute0_lowered:
.L_overlay_start_1:
0x0: {  	(tag) =	ssettag $0x1  }
0x1: {  	s1 =	rddreg [dreg:$0x0]  }
0x2: {  	s6 =	rddreg [dreg:$0x1]  }
0x3: {  	s0 =	srdreg.scid;
	s2 =	rddreg [dreg:$0x2];
	s4 =	simm.s32 $0x0  }
0x4: {  	s3 =	stileid.u32;
	s15 =	simm.s32 $0x3;
	s16 =	simm.s32 $0x80  }
0x5: {  	s17 =	simm.s32 $0x100;
	s18 =	simm.s32 $0x4200;
	s10 =	smul.u32 $0x13C00, s3  }
0x6: {  	s19 =	simm.s32 $0x1;
	s20 =	simm.s32 $0x2;
	s11 =	smul.u32 $0x4F000, s3  }
0x7: {  	s7 =	sand.u32 $0x1, s0;
	s0 =	rddreg [dreg:$0x3];
	s14 =	smul.u32 $0x13C0, s3  }
0x8: {  	s23 =	simm.s32 $0x0;
	[smem:$0x7FF] =	sst s4;
	s8 =	smul.u32 $0x13C00, s7  }
0x9: {  	s5 =	sadd.s32 $0x2A00, s6;
	s21 =	sshll.u32 s3, $0x6;
	s9 =	smul.u32 $0x13C000, s7  }
0xa: {  	_ =	strace $0x80000047;
	s7 =	ssub.s32 $0x2, s7;
	s21 =	sor.u32 $0x1C03, s21  }
0xb: {  	s29 =	sshrl.u32 s11, $0x2;
	s30 =	sshrl.u32 s7, $0x1;
	s28 =	sadd.s32 s10, s9  }
0xc: {  	s13 =	sadd.s32 s8, s6;
	s31 =	ssub.s32 s7, s30;
	s8 =	sshrl.u32 s28, $0x3  }
0xd: {  	s9 =	smax.u32 s31, $0x1;
	s13 =	sadd.s32 s14, s13;
	s14 =	simm.s32 $0x200  }
0xe: {  	s8 =	sadd.s32 s8, s6;
	s6 =	sadd.s32 s29, s2;
	s13 =	sadd.s32 $0x30000, s13  }
0xf: {  	s7 =	sadd.s32 $0x10000, s6;
	s8 =	sadd.s32 $0x57800, s8;
	s10 =	sadd.s32 $0x4000, s6  }
0x10: {  	v0 =	vimm.f32 $0.0e+00;
	s11 =	sadd.s32 $0x8000, s6;
	s12 =	sadd.s32 $0xC000, s6;
	s22 =	sshrl.u32 s6, $0x3  }
.LBB2_1:
0x11: {  	s24 =	simm.s32 $0x0;
	s25 =	simm.s32 $0x200  }
.LBB2_2:
0x12: {  	p0 =	sne.s32 s25, $0xFE00;
	[tilespmem:s24+$0x270] =	vst v0  }
0x13: {  	[tilespmem:s24+$0x200] =	vst v0  }
0x14: {  	[tilespmem:s24+$0x210] =	vst v0  }
.Ltmp0:
0x15: {  	[tilespmem:s24+$0x220] =	vst v0;
	(pc) =	sbr.rel @p0 .LBB2_2-.Ltmp0, $4  }
0x16: {  	[tilespmem:s24+$0x230] =	vst v0  }
0x17: {  	[tilespmem:s24+$0x240] =	vst v0  }
0x18: {  	[tilespmem:s24+$0x250] =	vst v0  }
0x19: {  	[tilespmem:s24+$0x260] =	vst v0;
	s24 =	sshra.s32 s25, $0x2;
	s25 =	sadd.s32 $0x200, s25  }
0x1a: {  	[tilespmem:s24+$0x270] =	vst v0  }
0x1b: {  	[tilespmem:s24+$0x200] =	vst v0  }
0x1c: {  	[tilespmem:s24+$0x210] =	vst v0  }
0x1d: {  	[tilespmem:s24+$0x220] =	vst v0  }
0x1e: {  	[tilespmem:s24+$0x230] =	vst v0  }
0x1f: {  	[tilespmem:s24+$0x240] =	vst v0  }
0x20: {  	[tilespmem:s24+$0x250] =	vst v0  }
0x21: {  	[tilespmem:s24+$0x260] =	vst v0  }
0x22: {  	[spmem:s6] =	stream.linear.scatter [tilespmem:s14], [sflag:$0x3], $0x4000, $0x38;
	[tilespmem:$0x1BE00] =	vst v63  }
0x23: {  	_ =	swait.ge [sflag:s15], $0x4000  }
0x24: {  	[sflag:s15] =	ssyncset.done $0x0  }
0x25: {  	[sflag:s15] =	ssyncadd.s32 $0xFFFFC000  }
0x26: {  	[spmem:s10] =	stream.linear.scatter [tilespmem:s14], [sflag:$0x3], $0x4000, $0x38;
	[tilespmem:$0x1BE00] =	vst v63  }
0x27: {  	_ =	swait.ge [sflag:s15], $0x4000  }
0x28: {  	[sflag:s15] =	ssyncset.done $0x0  }
0x29: {  	[sflag:s15] =	ssyncadd.s32 $0xFFFFC000  }
0x2a: {  	[spmem:s11] =	stream.linear.scatter [tilespmem:s14], [sflag:$0x3], $0x4000, $0x38;
	[tilespmem:$0x1BE00] =	vst v63  }
0x2b: {  	_ =	swait.ge [sflag:s15], $0x4000  }
0x2c: {  	[sflag:s15] =	ssyncset.done $0x0  }
0x2d: {  	[sflag:s15] =	ssyncadd.s32 $0xFFFFC000  }
0x2e: {  	[spmem:s12] =	stream.linear.scatter [tilespmem:s14], [sflag:$0x3], $0x4000, $0x38;
	[tilespmem:$0x1BE00] =	vst v63  }
0x2f: {  	_ =	swait.ge [sflag:s15], $0x4000  }
0x30: {  	[sflag:s15] =	ssyncset.done $0x0  }
0x31: {  	[sflag:s15] =	ssyncadd.s32 $0xFFFFC000  }
0x32: {  	[spmem:s7] =	stream.linear.scatter [tilespmem:s14], [sflag:$0x3], $0x3C00, $0x38;
	[tilespmem:$0x1BE00] =	vst v63  }
0x33: {  	_ =	swait.ge [sflag:s15], $0x3C00  }
0x34: {  	[sflag:s15] =	ssyncset.done $0x0  }
0x35: {  	[sflag:s15] =	ssyncadd.s32 $0xFFFFC400  }
0x36: {  	s31 =	sadd.s32 $0x0, s13;
	[bflag:$0x0] =	sbarrier.arrive $0xFFFF  }
0x37: {  	[tilespmem:s4], [sflag:$0x3] =	stream.linear.gather [hbm4b:s31+s4], $0x180, $0x38;
	[tilespmem:$0x1BE00] =	vst v63  }
0x38: {  	_ =	swait.ge [sflag:s15], $0x180  }
0x39: {  	[sflag:s15] =	ssyncset.done $0x0  }
0x3a: {  	[sflag:s15] =	ssyncadd.s32 $0xFFFFFE80  }
0x3b: {  	[tilespmem:s14], [sflag:$0x1] =	stream.indirect.gather [hbm4b:s1+s16], $0x80, s4, s16, $0xb8;
	[tilespmem:$0x1BE00] =	vst v63  }
0x3c: {  	_ = 	snop  }
0x3d: {  	[tilespmem:s18], [sflag:$0x2] =	stream.indirect.gather [hbm4b:s5+s16], $0x80, s17, s16, $0xb8;
	[tilespmem:$0x1BE00] =	vst v63  }
0x3e: {  	_ =	swait.ge [sflag:s19], $0x4000  }
0x3f: {  	[sflag:s19] =	ssyncset.done $0x0  }
0x40: {  	[sflag:s19] =	ssyncadd.s32 $0xFFFFC000  }
0x41: {  	_ =	swait.ge [sflag:s20], $0x4000  }
0x42: {  	[sflag:s20] =	ssyncset.done $0x0  }
0x43: {  	[sflag:s20] =	ssyncadd.s32 $0xFFFFC000  }
0x44: {  	[spmem:s2] =	stream.indirect.scatter.add.f32 [tilespmem:s14], [sflag:$0x3], $0x80, s16, s16, $0xb8;
	[tilespmem:$0x1BE00] =	vst v63  }
0x45: {  	_ =	swait.ge [sflag:s15], $0x4000  }
0x46: {  	[sflag:s15] =	ssyncset.done $0x0  }
0x47: {  	[sflag:s15] =	ssyncadd.s32 $0xFFFFC000  }
0x48: {  	[spmem:s2] =	stream.indirect.scatter.add.f32 [tilespmem:s18], [sflag:$0x3], $0x80, s16, s16, $0xb8;
	[tilespmem:$0x1BE00] =	vst v63  }
0x49: {  	_ =	swait.ge [sflag:s15], $0x4000  }
0x4a: {  	s24 =	simm.s32 $0x40;
	s25 =	simm.s32 $0x80;
	[sflag:s15] =	ssyncset.done $0x0  }
.LBB2_4:
0x4b: {  	s26 =	sadd.s32 s24, s13  }
0x4c: {  	[sflag:s15] =	ssyncadd.s32 $0xFFFFC000;
	s24 =	smov.u32 s25;
	s28 =	sadd.s32 $0x40, s25  }
0x4d: {  	[tilespmem:s4], [sflag:$0x3] =	stream.linear.gather [hbm4b:s26+s4], $0x180, $0x38;
	[tilespmem:$0x1BE00] =	vst v63  }
0x4e: {  	p0 =	sne.s32 s25, $0x1380;
	_ =	swait.ge [sflag:s15], $0x180  }
0x4f: {  	[sflag:s15] =	ssyncset.done $0x0  }
0x50: {  	[sflag:s15] =	ssyncadd.s32 $0xFFFFFE80  }
0x51: {  	[tilespmem:s14], [sflag:$0x1] =	stream.indirect.gather [hbm4b:s1+s16], $0x80, s4, s16, $0xb8;
	[tilespmem:$0x1BE00] =	vst v63  }
0x52: {  	_ = 	snop  }
0x53: {  	[tilespmem:s18], [sflag:$0x2] =	stream.indirect.gather [hbm4b:s5+s16], $0x80, s17, s16, $0xb8;
	[tilespmem:$0x1BE00] =	vst v63  }
0x54: {  	_ =	swait.ge [sflag:s19], $0x4000  }
0x55: {  	[sflag:s19] =	ssyncset.done $0x0  }
0x56: {  	[sflag:s19] =	ssyncadd.s32 $0xFFFFC000  }
0x57: {  	_ =	swait.ge [sflag:s20], $0x4000  }
0x58: {  	[sflag:s20] =	ssyncset.done $0x0  }
0x59: {  	[sflag:s20] =	ssyncadd.s32 $0xFFFFC000  }
0x5a: {  	[spmem:s2] =	stream.indirect.scatter.add.f32 [tilespmem:s14], [sflag:$0x3], $0x80, s16, s16, $0xb8;
	[tilespmem:$0x1BE00] =	vst v63  }
0x5b: {  	_ =	swait.ge [sflag:s15], $0x4000  }
.Ltmp1:
0x5c: {  	[sflag:s15] =	ssyncset.done $0x0;
	(pc) =	sbr.rel @p0 .LBB2_4-.Ltmp1, $4  }
0x5d: {  	[sflag:s15] =	ssyncadd.s32 $0xFFFFC000  }
0x5e: {  	[spmem:s2] =	stream.indirect.scatter.add.f32 [tilespmem:s18], [sflag:$0x3], $0x80, s16, s16, $0xb8;
	[tilespmem:$0x1BE00] =	vst v63  }
0x5f: {  	_ =	swait.ge [sflag:s15], $0x4000  }
0x60: {  	s25 =	smov.u32 s28;
	[sflag:s15] =	ssyncset.done $0x0  }
0x61: {  	s24 =	sadd.s32 s24, s13;
	[sflag:s15] =	ssyncadd.s32 $0xFFFFC000  }
0x62: {  	[tilespmem:s4], [sflag:$0x3] =	stream.linear.gather [hbm4b:s24+s4], $0x180, $0x38;
	[tilespmem:$0x1BE00] =	vst v63  }
0x63: {  	_ =	swait.ge [sflag:s15], $0x180  }
0x64: {  	[sflag:s15] =	ssyncset.done $0x0  }
0x65: {  	[sflag:s15] =	ssyncadd.s32 $0xFFFFFE80  }
0x66: {  	[tilespmem:s14], [sflag:$0x1] =	stream.indirect.gather [hbm4b:s1+s16], $0x80, s4, s16, $0xb8;
	[tilespmem:$0x1BE00] =	vst v63  }
0x67: {  	_ = 	snop  }
0x68: {  	[tilespmem:s18], [sflag:$0x2] =	stream.indirect.gather [hbm4b:s5+s16], $0x80, s17, s16, $0xb8;
	[tilespmem:$0x1BE00] =	vst v63  }
0x69: {  	_ =	swait.ge [sflag:s19], $0x4000  }
0x6a: {  	[sflag:s19] =	ssyncset.done $0x0  }
0x6b: {  	[sflag:s19] =	ssyncadd.s32 $0xFFFFC000  }
0x6c: {  	_ =	swait.ge [sflag:s20], $0x4000  }
0x6d: {  	[sflag:s20] =	ssyncset.done $0x0  }
0x6e: {  	[sflag:s20] =	ssyncadd.s32 $0xFFFFC000  }
0x6f: {  	[spmem:s2] =	stream.indirect.scatter.add.f32 [tilespmem:s14], [sflag:$0x3], $0x80, s16, s16, $0xb8;
	[tilespmem:$0x1BE00] =	vst v63  }
0x70: {  	_ =	swait.ge [sflag:s15], $0x4000  }
0x71: {  	[sflag:s15] =	ssyncset.done $0x0  }
0x72: {  	[sflag:s15] =	ssyncadd.s32 $0xFFFFC000  }
0x73: {  	[spmem:s2] =	stream.indirect.scatter.add.f32 [tilespmem:s18], [sflag:$0x3], $0x80, s16, s16, $0xb8;
	[tilespmem:$0x1BE00] =	vst v63  }
0x74: {  	_ =	swait.ge [sflag:s15], $0x4000  }
0x75: {  	s23 =	sadd.s32 $0x1, s23;
	[sflag:s15] =	ssyncset.done $0x0  }
0x76: {  	p0 =	sne.s32 s23, s9;
	[sflag:s15] =	ssyncadd.s32 $0xFFFFC000  }
.Ltmp2:
0x77: {  	[bflag:$0x0] =	sbarrier.arrive $0xFFFF;
	(pc) =	sbr.rel @p0 .LBB2_1-.Ltmp2, $4  }
0x78: {  	[hbm:s8], [sflag:s21] =	dma.local [spmem:s22], $0x2780  }
0x79: {  	_ =	swait.ge [sflag:s15], $0x2780  }
0x7a: {  	[sflag:s15] =	ssyncset.done $0x0  }
0x7b: {  	[sflag:s15] =	ssyncadd.s32 $0xFFFFD880  }
0x7c: {  	_ =	sfence.sel $0x180000  }
0x7d: {  	[bflag:$0x0] =	sbarrier.arrive $0xFFFF  }
0x7e: {  	p0 =	sne.s32 s3, $0x0;
	_ =	strace $0x90000047  }
0x7f: {  	s0 =	sadd.s32 @!p0 $0x100000, s0;
	[bflag:$0x2] =	sbarrier.arrive $0xFFFF  }
0x80: {  	[sflag:s0] =	ssyncadd.tile.s32 @!p0 $0x1;
	_ =	shalt  }
.Lfunc_end2:
_tile_overlayer_lowered:
.L_overlay_start_2:
0x81: {  	(tag) =	ssettag $0x2  }
0x82: {  	s0 =	rddreg [dreg:$0x0];
	s2 =	stileid.u32  }
0x83: {  	s1 =	rddreg [dreg:$0x1];
	p0 =	sne.s32 s2, $0x0  }
0x84: {  	s3 =	rddreg [dreg:$0x2];
	[bflag:$0x3] =	sbarrier.arrive $0xFFFF;
	s2 =	simm.s32 @!p0 $0x1C03  }
0x85: {  	[timem:s3], [sflag:s2] =	dma.local @!p0 [hbm:s0], s1  }
0x86: {  	s0 =	simm.s32 @!p0 $0x3  }
0x87: {  	_ =	swait.ge @!p0 [sflag:s0], s1  }
0x88: {  	s1 =	ssub.s32 @!p0 $0x0, s1;
	[sflag:s0] =	ssyncset.done @!p0 $0x0  }
0x89: {  	[sflag:s0] =	ssyncadd.s32 @!p0 s1  }
0x8a: {  	[bflag:$0x3] =	sbarrier.arrive $0xFFFF  }
0x8b: {  	_ =	shalt  }

</sc_bundles>
